<compile_context>
chip_gen: v7x
topology: tpu7x:2x2x1
jax: 0.10.2.dev20260603
libtpu: 0.0.44.dev20260713+nightly
codegen_flags: <defaults>
</compile_context>

<pallas_src>
import functools

import jax
import jax.numpy as jnp
from jax import lax
from jax.experimental import pallas as pl
from jax.experimental.pallas import tpu as pltpu
from jax.experimental.pallas import tpu_sc as plsc


_NBUF = 4


def _mm_body(idx_ref, x_ref, w_hbm, bias_ref, o_ref, wbuf, sems):
    e = pl.program_id(0)
    n = pl.num_programs(0)

    @pl.when(e == 0)
    def _():
        for k in range(_NBUF):
            pltpu.make_async_copy(w_hbm.at[k], wbuf.at[k], sems.at[k]).start()

    slot = lax.rem(e, _NBUF)
    pltpu.make_async_copy(w_hbm.at[e], wbuf.at[slot], sems.at[slot]).wait()

    mask = idx_ref[...] == e
    xm = jnp.where(mask, x_ref[...], 0.0)
    contrib = lax.dot_general(
        xm, wbuf[slot],
        dimension_numbers=(((1,), (1,)), ((), ())),
        preferred_element_type=jnp.float32,
    )

    @pl.when(e == 0)
    def _():
        o_ref[...] = bias_ref[...] + contrib

    @pl.when(e != 0)
    def _():
        o_ref[...] += contrib

    nxt = e + _NBUF

    @pl.when(nxt < n)
    def _():
        pltpu.make_async_copy(w_hbm.at[nxt], wbuf.at[slot], sems.at[slot]).start()


def _switch_matmul(idx2d, x, W, bias_g):
    B, IN = x.shape
    E, OUT, _ = W.shape
    return pl.pallas_call(
        _mm_body,
        grid=(E,),
        in_specs=[
            pl.BlockSpec((B, 1), lambda e: (0, 0)),
            pl.BlockSpec((B, IN), lambda e: (0, 0)),
            pl.BlockSpec(memory_space=pl.ANY),
            pl.BlockSpec((B, OUT), lambda e: (0, 0)),
        ],
        out_specs=pl.BlockSpec((B, OUT), lambda e: (0, 0)),
        out_shape=jax.ShapeDtypeStruct((B, OUT), jnp.float32),
        scratch_shapes=[
            pltpu.VMEM((_NBUF, OUT, IN), jnp.float32),
            pltpu.SemaphoreType.DMA((_NBUF,)),
        ],
    )(idx2d, x, W, bias_g)


def _bias_gather(b, idx):
    E, OUT = b.shape
    B = idx.shape[0]
    n_workers = 16
    per_w = B // n_workers
    info = plsc.get_sparse_core_info()
    nc = info.num_cores
    mesh = plsc.VectorSubcoreMesh(core_axis_name="c", subcore_axis_name="s")

    @functools.partial(
        pl.kernel,
        mesh=mesh,
        out_type=jax.ShapeDtypeStruct((B, OUT), jnp.float32),
        scratch_types=[
            pltpu.VMEM((per_w,), jnp.int32),
            pltpu.VMEM((per_w, OUT), jnp.float32),
            pltpu.SemaphoreType.DMA,
        ],
    )
    def k(b_hbm, idx_hbm, out_hbm, idx_v, rows_v, sem):
        wid = lax.axis_index("s") * nc + lax.axis_index("c")

        @pl.when(wid < n_workers)
        def _():
            base = wid * per_w
            pltpu.sync_copy(idx_hbm.at[pl.ds(base, per_w)], idx_v)
            pltpu.async_copy(b_hbm.at[idx_v], rows_v, sem).wait()
            pltpu.sync_copy(rows_v, out_hbm.at[pl.ds(base, per_w)])

    return k(b, idx)


def kernel(x, indices, W, b):
    idx = indices.astype(jnp.int32)
    bias_g = _bias_gather(b, idx)
    idx2d = idx.reshape(-1, 1)
    return _switch_matmul(idx2d, x, W, bias_g)

# --- scband reference (transcript-rebuilt; emitter-appended) ---
"""Pipeline reference for scband-switch-linear-61933428408855 (READ-ONLY COPY).

The authoritative reference and input builder live on the scoring server;
editing this copy changes nothing except your own understanding.
"""

import jax, jax.numpy as jnp
import numpy as np

NUM_EXPERTS = 16
IN_FEATURES = 768
OUT_FEATURES = 768
BATCH = 128


def setup_inputs(seed: int = 0) -> dict:
    key = jax.random.key(seed)
    k_x, k_idx, k_w, k_b = jax.random.split(key, 4)
    x = jax.random.normal(k_x, (BATCH, IN_FEATURES), dtype=jnp.float32)
    indices = jax.random.randint(k_idx, (BATCH,), 0, NUM_EXPERTS, dtype=jnp.int64)
    # nn.Linear weight shape is [out_features, in_features]; one per expert stacked.
    bound = 1.0 / np.sqrt(IN_FEATURES)
    W = jax.random.uniform(k_w, (NUM_EXPERTS, OUT_FEATURES, IN_FEATURES), dtype=jnp.float32, minval=-bound, maxval=bound)
    b = jax.random.uniform(k_b, (NUM_EXPERTS, OUT_FEATURES), dtype=jnp.float32, minval=-bound, maxval=bound)
    return {"x": x, "indices": indices, "W": W, "b": b}


def reference(x, indices, W, b):
    # Faithful translation of SwitchLinear.forward:
    #   gather per-sample expert weight/bias, batched matmul, add bias.
    weight = jnp.take(W, indices, axis=0)          # [B, out, in] (stack of per-token expert weights)
    bias = jnp.take(b, indices, axis=0)            # [B, out]
    xu = x[:, None, :]                             # [B, 1, in]
    out = jnp.matmul(xu, jnp.transpose(weight, (0, 2, 1)))  # [B, 1, out]
    out = jnp.squeeze(out, axis=1)                 # [B, out]
    out = out + bias
    return out

if __name__ == "__main__":
    import jax
    _d = setup_inputs()
    print(jax.jit(kernel)(*tuple(_d.values())))

</pallas_src>

<mosaic_0001>
#map = affine_map<(d0, d1) -> (0, 0)>
#map1 = affine_map<(d0, d1) -> (0)>
module attributes {stable_mosaic.version = 14 : i64} {
  func.func @k(%arg0: i32, %arg1: i32, %arg2: memref<16x768xf32, #tpu.memory_space<hbm>>, %arg3: memref<128xi32, #tpu.memory_space<hbm>>, %arg4: memref<128x768xf32, #tpu.memory_space<hbm>>, %arg5: memref<8xi32, #tpu.memory_space<vmem>>, %arg6: memref<8x768xf32, #tpu.memory_space<vmem>>, %arg7: memref<!tpu.dma_semaphore, #tpu.memory_space<semaphore_mem>>) attributes {dimension_semantics = [#tpu.dimension_semantics<core_parallel>, #tpu.dimension_semantics<subcore_parallel>], iteration_bounds = array<i64: 2, 16>, scalar_prefetch = 0 : i64, scratch_operands = 3 : i64, tpu.core_type = #tpu.core_type<sc_vector_subcore>, window_params = [{transform_indices = #map}, {transform_indices = #map1}, {transform_indices = #map}]} {
    %mul3A = arith.constant 2 : i32
    %mul3A_0 = arith.muli %arg1, %mul3A : i32
    %add3A = arith.addi %mul3A_0, %arg0 : i32
    %lt3A = arith.constant 16 : i32
    %lt3A_1 = arith.cmpi slt, %add3A, %lt3A : i32
    %convert_element_type3A = arith.extui %lt3A_1 : i1 to i32
    %cond3A = arith.constant 0 : i32
    %cond3A_2 = arith.cmpi ne, %convert_element_type3A, %cond3A : i32
    scf.if %cond3A_2 {
      %mul3A_3 = arith.constant 8 : i32
      %mul3A_4 = arith.muli %add3A, %mul3A_3 : i32
      "tpu.region"() ({
        %run_scoped3A = tpu.sem_alloc : memref<!tpu.dma_semaphore, #tpu.memory_space<semaphore_mem>>
        %dma_start3A_9 = tpu.memref_slice %arg3[%mul3A_4] : memref<128xi32, #tpu.memory_space<hbm>> -> memref<8xi32, #tpu.memory_space<hbm>>
        %dma_start3A_10 = tpu.memref_slice %arg3[%mul3A_4] : memref<128xi32, #tpu.memory_space<hbm>> -> memref<8xi32, #tpu.memory_space<hbm>>
        tpu.enqueue_dma source(%dma_start3A_10 : memref<8xi32, #tpu.memory_space<hbm>>) target(%arg5 : memref<8xi32, #tpu.memory_space<vmem>>) target_semaphore(%run_scoped3A : memref<!tpu.dma_semaphore, #tpu.memory_space<semaphore_mem>>)
        %dma_wait3A_11 = tpu.memref_slice %arg3[%mul3A_4] : memref<128xi32, #tpu.memory_space<hbm>> -> memref<8xi32, #tpu.memory_space<hbm>>
        %dma_wait3A_12 = tpu.memref_slice %arg3[%mul3A_4] : memref<128xi32, #tpu.memory_space<hbm>> -> memref<8xi32, #tpu.memory_space<hbm>>
        tpu.wait_dma2 semaphore(%run_scoped3A : memref<!tpu.dma_semaphore, #tpu.memory_space<semaphore_mem>>) src(%dma_wait3A_12 : memref<8xi32, #tpu.memory_space<hbm>>) dst(%arg5 : memref<8xi32, #tpu.memory_space<vmem>>)
        tpu.yield
      }) : () -> ()
      %dma_start3A = arith.constant 0 : i32
      %dma_start3A_5 = arith.constant 0 : i32
      %dma_start3A_6 = tpu.memref_slice %arg2[%dma_start3A, %dma_start3A_5] : memref<16x768xf32, #tpu.memory_space<hbm>> -> memref<16x768xf32, #tpu.memory_space<hbm>>
      tpu.enqueue_indirect_dma source(%dma_start3A_6 : memref<16x768xf32, #tpu.memory_space<hbm>>) target(%arg6 : memref<8x768xf32, #tpu.memory_space<vmem>>) offsets(%arg5 : memref<8xi32, #tpu.memory_space<vmem>>) semaphore(%arg7 : memref<!tpu.dma_semaphore, #tpu.memory_space<semaphore_mem>>)
      %dma_wait3A = arith.constant 0 : i32
      %dma_wait3A_7 = arith.constant 0 : i32
      %dma_wait3A_8 = tpu.memref_slice %arg2[%dma_wait3A, %dma_wait3A_7] : memref<16x768xf32, #tpu.memory_space<hbm>> -> memref<16x768xf32, #tpu.memory_space<hbm>>
      tpu.wait_indirect_dma semaphore(%arg7 : memref<!tpu.dma_semaphore, #tpu.memory_space<semaphore_mem>>) src(%dma_wait3A_8 : memref<16x768xf32, #tpu.memory_space<hbm>>) dst(%arg6 : memref<8x768xf32, #tpu.memory_space<vmem>>)
      "tpu.region"() ({
        %run_scoped3A = tpu.sem_alloc : memref<!tpu.dma_semaphore, #tpu.memory_space<semaphore_mem>>
        %dma_start3A_9 = arith.constant 0 : i32
        %dma_start3A_10 = tpu.memref_slice %arg4[%mul3A_4, %dma_start3A_9] : memref<128x768xf32, #tpu.memory_space<hbm>> -> memref<8x768xf32, #tpu.memory_space<hbm>>
        %dma_start3A_11 = arith.constant 0 : i32
        %dma_start3A_12 = tpu.memref_slice %arg4[%mul3A_4, %dma_start3A_11] : memref<128x768xf32, #tpu.memory_space<hbm>> -> memref<8x768xf32, #tpu.memory_space<hbm>>
        tpu.enqueue_dma source(%arg6 : memref<8x768xf32, #tpu.memory_space<vmem>>) target(%dma_start3A_12 : memref<8x768xf32, #tpu.memory_space<hbm>>) target_semaphore(%run_scoped3A : memref<!tpu.dma_semaphore, #tpu.memory_space<semaphore_mem>>)
        %dma_wait3A_13 = arith.constant 0 : i32
        %dma_wait3A_14 = tpu.memref_slice %arg4[%mul3A_4, %dma_wait3A_13] : memref<128x768xf32, #tpu.memory_space<hbm>> -> memref<8x768xf32, #tpu.memory_space<hbm>>
        %dma_wait3A_15 = arith.constant 0 : i32
        %dma_wait3A_16 = tpu.memref_slice %arg4[%mul3A_4, %dma_wait3A_15] : memref<128x768xf32, #tpu.memory_space<hbm>> -> memref<8x768xf32, #tpu.memory_space<hbm>>
        tpu.wait_dma2 semaphore(%run_scoped3A : memref<!tpu.dma_semaphore, #tpu.memory_space<semaphore_mem>>) src(%arg6 : memref<8x768xf32, #tpu.memory_space<vmem>>) dst(%dma_wait3A_16 : memref<8x768xf32, #tpu.memory_space<hbm>>)
        tpu.yield
      }) : () -> ()
    } else {
    }
    return
  }
}

module attributes {stable_mosaic.version = 14 : i64} {
  func.func @_mm_body(%arg0: i32, %arg1: memref<128x1xi32, #tpu.memory_space<vmem>>, %arg2: memref<128x768xf32, #tpu.memory_space<vmem>>, %arg3: memref<16x768x768xf32, #tpu.memory_space<any>>, %arg4: memref<128x768xf32, #tpu.memory_space<vmem>>, %arg5: memref<128x768xf32, #tpu.memory_space<vmem>>, %arg6: memref<4x768x768xf32, #tpu.memory_space<vmem>>, %arg7: memref<4x!tpu.dma_semaphore, #tpu.memory_space<semaphore_mem>>) attributes {dimension_semantics = [#tpu.dimension_semantics<arbitrary>], iteration_bounds = array<i64: 16>, scalar_prefetch = 0 : i64, scratch_operands = 2 : i64, tpu.core_type = #tpu.core_type<tc>, window_params = [{pipeline_mode = #tpu.pipeline_mode<synchronous>, transform_indices = @transform_0, window_bounds = array<i64: 128, 1>}, {pipeline_mode = #tpu.pipeline_mode<synchronous>, transform_indices = @transform_1, window_bounds = array<i64: 128, 768>}, {}, {pipeline_mode = #tpu.pipeline_mode<synchronous>, transform_indices = @transform_3, window_bounds = array<i64: 128, 768>}, {pipeline_mode = #tpu.pipeline_mode<synchronous>, transform_indices = @transform_4, window_bounds = array<i64: 128, 768>}]} {
    %eq3A = arith.constant 0 : i32
    %eq3A_0 = arith.cmpi eq, %arg0, %eq3A : i32
    %convert_element_type3A = arith.extui %eq3A_0 : i1 to i32
    %cond3A = arith.constant 0 : i32
    %cond3A_1 = arith.cmpi ne, %convert_element_type3A, %cond3A : i32
    scf.if %cond3A_1 {
      %dma_start3A = arith.constant 0 : i32
      %dma_start3A_41 = arith.constant 0 : i32
      %dma_start3A_42 = arith.constant 0 : i32
      %dma_start3A_43 = tpu.memref_slice %arg7[%dma_start3A_42] : memref<4x!tpu.dma_semaphore, #tpu.memory_space<semaphore_mem>> -> memref<1x!tpu.dma_semaphore, #tpu.memory_space<semaphore_mem>>
      %dma_start3A_44 = tpu.memref_squeeze %dma_start3A_43 : memref<1x!tpu.dma_semaphore, #tpu.memory_space<semaphore_mem>> -> memref<!tpu.dma_semaphore, #tpu.memory_space<semaphore_mem>>
      %dma_start3A_45 = arith.constant 0 : i32
      %dma_start3A_46 = arith.constant 0 : i32
      %dma_start3A_47 = tpu.memref_slice %arg6[%dma_start3A_41, %dma_start3A_45, %dma_start3A_46] : memref<4x768x768xf32, #tpu.memory_space<vmem>> -> memref<1x768x768xf32, #tpu.memory_space<vmem>>
      %dma_start3A_48 = tpu.memref_squeeze %dma_start3A_47 : memref<1x768x768xf32, #tpu.memory_space<vmem>> -> memref<768x768xf32, #tpu.memory_space<vmem>>
      %dma_start3A_49 = arith.constant 0 : i32
      %dma_start3A_50 = arith.constant 0 : i32
      %dma_start3A_51 = tpu.memref_slice %arg3[%dma_start3A, %dma_start3A_49, %dma_start3A_50] : memref<16x768x768xf32, #tpu.memory_space<any>> -> memref<1x768x768xf32, #tpu.memory_space<any>>
      %dma_start3A_52 = tpu.memref_squeeze %dma_start3A_51 : memref<1x768x768xf32, #tpu.memory_space<any>> -> memref<768x768xf32, #tpu.memory_space<any>>
      tpu.enqueue_dma source(%dma_start3A_52 : memref<768x768xf32, #tpu.memory_space<any>>) target(%dma_start3A_48 : memref<768x768xf32, #tpu.memory_space<vmem>>) target_semaphore(%dma_start3A_44 : memref<!tpu.dma_semaphore, #tpu.memory_space<semaphore_mem>>)
      %dma_start3A_53 = arith.constant 1 : i32
      %dma_start3A_54 = arith.constant 1 : i32
      %dma_start3A_55 = arith.constant 1 : i32
      %dma_start3A_56 = tpu.memref_slice %arg7[%dma_start3A_55] : memref<4x!tpu.dma_semaphore, #tpu.memory_space<semaphore_mem>> -> memref<1x!tpu.dma_semaphore, #tpu.memory_space<semaphore_mem>>
      %dma_start3A_57 = tpu.memref_squeeze %dma_start3A_56 : memref<1x!tpu.dma_semaphore, #tpu.memory_space<semaphore_mem>> -> memref<!tpu.dma_semaphore, #tpu.memory_space<semaphore_mem>>
      %dma_start3A_58 = arith.constant 0 : i32
      %dma_start3A_59 = arith.constant 0 : i32
      %dma_start3A_60 = tpu.memref_slice %arg6[%dma_start3A_54, %dma_start3A_58, %dma_start3A_59] : memref<4x768x768xf32, #tpu.memory_space<vmem>> -> memref<1x768x768xf32, #tpu.memory_space<vmem>>
      %dma_start3A_61 = tpu.memref_squeeze %dma_start3A_60 : memref<1x768x768xf32, #tpu.memory_space<vmem>> -> memref<768x768xf32, #tpu.memory_space<vmem>>
      %dma_start3A_62 = arith.constant 0 : i32
      %dma_start3A_63 = arith.constant 0 : i32
      %dma_start3A_64 = tpu.memref_slice %arg3[%dma_start3A_53, %dma_start3A_62, %dma_start3A_63] : memref<16x768x768xf32, #tpu.memory_space<any>> -> memref<1x768x768xf32, #tpu.memory_space<any>>
      %dma_start3A_65 = tpu.memref_squeeze %dma_start3A_64 : memref<1x768x768xf32, #tpu.memory_space<any>> -> memref<768x768xf32, #tpu.memory_space<any>>
      tpu.enqueue_dma source(%dma_start3A_65 : memref<768x768xf32, #tpu.memory_space<any>>) target(%dma_start3A_61 : memref<768x768xf32, #tpu.memory_space<vmem>>) target_semaphore(%dma_start3A_57 : memref<!tpu.dma_semaphore, #tpu.memory_space<semaphore_mem>>)
      %dma_start3A_66 = arith.constant 2 : i32
      %dma_start3A_67 = arith.constant 2 : i32
      %dma_start3A_68 = arith.constant 2 : i32
      %dma_start3A_69 = tpu.memref_slice %arg7[%dma_start3A_68] : memref<4x!tpu.dma_semaphore, #tpu.memory_space<semaphore_mem>> -> memref<1x!tpu.dma_semaphore, #tpu.memory_space<semaphore_mem>>
      %dma_start3A_70 = tpu.memref_squeeze %dma_start3A_69 : memref<1x!tpu.dma_semaphore, #tpu.memory_space<semaphore_mem>> -> memref<!tpu.dma_semaphore, #tpu.memory_space<semaphore_mem>>
      %dma_start3A_71 = arith.constant 0 : i32
      %dma_start3A_72 = arith.constant 0 : i32
      %dma_start3A_73 = tpu.memref_slice %arg6[%dma_start3A_67, %dma_start3A_71, %dma_start3A_72] : memref<4x768x768xf32, #tpu.memory_space<vmem>> -> memref<1x768x768xf32, #tpu.memory_space<vmem>>
      %dma_start3A_74 = tpu.memref_squeeze %dma_start3A_73 : memref<1x768x768xf32, #tpu.memory_space<vmem>> -> memref<768x768xf32, #tpu.memory_space<vmem>>
      %dma_start3A_75 = arith.constant 0 : i32
      %dma_start3A_76 = arith.constant 0 : i32
      %dma_start3A_77 = tpu.memref_slice %arg3[%dma_start3A_66, %dma_start3A_75, %dma_start3A_76] : memref<16x768x768xf32, #tpu.memory_space<any>> -> memref<1x768x768xf32, #tpu.memory_space<any>>
      %dma_start3A_78 = tpu.memref_squeeze %dma_start3A_77 : memref<1x768x768xf32, #tpu.memory_space<any>> -> memref<768x768xf32, #tpu.memory_space<any>>
      tpu.enqueue_dma source(%dma_start3A_78 : memref<768x768xf32, #tpu.memory_space<any>>) target(%dma_start3A_74 : memref<768x768xf32, #tpu.memory_space<vmem>>) target_semaphore(%dma_start3A_70 : memref<!tpu.dma_semaphore, #tpu.memory_space<semaphore_mem>>)
      %dma_start3A_79 = arith.constant 3 : i32
      %dma_start3A_80 = arith.constant 3 : i32
      %dma_start3A_81 = arith.constant 3 : i32
      %dma_start3A_82 = tpu.memref_slice %arg7[%dma_start3A_81] : memref<4x!tpu.dma_semaphore, #tpu.memory_space<semaphore_mem>> -> memref<1x!tpu.dma_semaphore, #tpu.memory_space<semaphore_mem>>
      %dma_start3A_83 = tpu.memref_squeeze %dma_start3A_82 : memref<1x!tpu.dma_semaphore, #tpu.memory_space<semaphore_mem>> -> memref<!tpu.dma_semaphore, #tpu.memory_space<semaphore_mem>>
      %dma_start3A_84 = arith.constant 0 : i32
      %dma_start3A_85 = arith.constant 0 : i32
      %dma_start3A_86 = tpu.memref_slice %arg6[%dma_start3A_80, %dma_start3A_84, %dma_start3A_85] : memref<4x768x768xf32, #tpu.memory_space<vmem>> -> memref<1x768x768xf32, #tpu.memory_space<vmem>>
      %dma_start3A_87 = tpu.memref_squeeze %dma_start3A_86 : memref<1x768x768xf32, #tpu.memory_space<vmem>> -> memref<768x768xf32, #tpu.memory_space<vmem>>
      %dma_start3A_88 = arith.constant 0 : i32
      %dma_start3A_89 = arith.constant 0 : i32
      %dma_start3A_90 = tpu.memref_slice %arg3[%dma_start3A_79, %dma_start3A_88, %dma_start3A_89] : memref<16x768x768xf32, #tpu.memory_space<any>> -> memref<1x768x768xf32, #tpu.memory_space<any>>
      %dma_start3A_91 = tpu.memref_squeeze %dma_start3A_90 : memref<1x768x768xf32, #tpu.memory_space<any>> -> memref<768x768xf32, #tpu.memory_space<any>>
      tpu.enqueue_dma source(%dma_start3A_91 : memref<768x768xf32, #tpu.memory_space<any>>) target(%dma_start3A_87 : memref<768x768xf32, #tpu.memory_space<vmem>>) target_semaphore(%dma_start3A_83 : memref<!tpu.dma_semaphore, #tpu.memory_space<semaphore_mem>>)
    } else {
    }
    %rem3A = arith.constant 4 : i32
    %rem3A_2 = arith.remsi %arg0, %rem3A : i32
    %dma_wait3A = tpu.memref_slice %arg7[%rem3A_2] : memref<4x!tpu.dma_semaphore, #tpu.memory_space<semaphore_mem>> -> memref<1x!tpu.dma_semaphore, #tpu.memory_space<semaphore_mem>>
    %dma_wait3A_3 = tpu.memref_squeeze %dma_wait3A : memref<1x!tpu.dma_semaphore, #tpu.memory_space<semaphore_mem>> -> memref<!tpu.dma_semaphore, #tpu.memory_space<semaphore_mem>>
    %dma_wait3A_4 = arith.constant 0 : i32
    %dma_wait3A_5 = arith.constant 0 : i32
    %dma_wait3A_6 = tpu.memref_slice %arg6[%rem3A_2, %dma_wait3A_4, %dma_wait3A_5] : memref<4x768x768xf32, #tpu.memory_space<vmem>> -> memref<1x768x768xf32, #tpu.memory_space<vmem>>
    %dma_wait3A_7 = tpu.memref_squeeze %dma_wait3A_6 : memref<1x768x768xf32, #tpu.memory_space<vmem>> -> memref<768x768xf32, #tpu.memory_space<vmem>>
    %dma_wait3A_8 = arith.constant 0 : i32
    %dma_wait3A_9 = arith.constant 0 : i32
    %dma_wait3A_10 = tpu.memref_slice %arg3[%arg0, %dma_wait3A_8, %dma_wait3A_9] : memref<16x768x768xf32, #tpu.memory_space<any>> -> memref<1x768x768xf32, #tpu.memory_space<any>>
    %dma_wait3A_11 = tpu.memref_squeeze %dma_wait3A_10 : memref<1x768x768xf32, #tpu.memory_space<any>> -> memref<768x768xf32, #tpu.memory_space<any>>
    tpu.wait_dma2 semaphore(%dma_wait3A_3 : memref<!tpu.dma_semaphore, #tpu.memory_space<semaphore_mem>>) src(%dma_wait3A_11 : memref<768x768xf32, #tpu.memory_space<any>>) dst(%dma_wait3A_7 : memref<768x768xf32, #tpu.memory_space<vmem>>)
    %get3A = arith.constant 0 : index
    %get3A_12 = arith.constant 0 : index
    %get3A_13 = vector.load %arg1[%get3A, %get3A_12] : memref<128x1xi32, #tpu.memory_space<vmem>>, vector<128x1xi32>
    %eq3A_14 = vector.broadcast %arg0 : i32 to vector<128x1xi32>
    %eq3A_15 = arith.cmpi eq, %get3A_13, %eq3A_14 : vector<128x1xi32>
    %get3A_16 = arith.constant 0 : index
    %get3A_17 = arith.constant 0 : index
    %get3A_18 = vector.load %arg2[%get3A_16, %get3A_17] : memref<128x768xf32, #tpu.memory_space<vmem>>, vector<128x768xf32>
    %jit3A = arith.constant 0.000000e+00 : f32
    %broadcast_in_dim3A = vector.shape_cast %eq3A_15 : vector<128x1xi1> to vector<128x1xi1>
    %broadcast_in_dim3A_19 = vector.broadcast %broadcast_in_dim3A : vector<128x1xi1> to vector<128x768xi1>
    %broadcast_in_dim3A_20 = vector.broadcast %jit3A : f32 to vector<128x768xf32>
    %select_n3A = arith.select %broadcast_in_dim3A_19, %get3A_18, %broadcast_in_dim3A_20 : vector<128x768xi1>, vector<128x768xf32>
    %get3A_21 = arith.index_cast %rem3A_2 : i32 to index
    %get3A_22 = arith.constant 0 : index
    %get3A_23 = arith.constant 0 : index
    %get3A_24 = vector.load %arg6[%get3A_21, %get3A_22, %get3A_23] : memref<4x768x768xf32, #tpu.memory_space<vmem>>, vector<1x768x768xf32>
    %get3A_25 = vector.shape_cast %get3A_24 : vector<1x768x768xf32> to vector<768x768xf32>
    %dot_general3A = arith.constant dense<0.000000e+00> : vector<128x768xf32>
    %dot_general3A_26 = tpu.matmul %select_n3A, %get3A_25, %dot_general3A {dimension_numbers = #tpu.dot_dimension_numbers<[1], [1], [0], [0], [0, 0, 1, 0], [], []>, transpose_lhs_hint = false} : vector<128x768xf32>, vector<768x768xf32>, vector<128x768xf32> -> vector<128x768xf32>
    %eq3A_27 = arith.constant 0 : i32
    %eq3A_28 = arith.cmpi eq, %arg0, %eq3A_27 : i32
    %convert_element_type3A_29 = arith.extui %eq3A_28 : i1 to i32
    %cond3A_30 = arith.constant 0 : i32
    %cond3A_31 = arith.cmpi ne, %convert_element_type3A_29, %cond3A_30 : i32
    scf.if %cond3A_31 {
      %get3A_41 = arith.constant 0 : index
      %get3A_42 = arith.constant 0 : index
      %get3A_43 = vector.load %arg4[%get3A_41, %get3A_42] : memref<128x768xf32, #tpu.memory_space<vmem>>, vector<128x768xf32>
      %add3A_44 = arith.addf %get3A_43, %dot_general3A_26 : vector<128x768xf32>
      %swap3A = arith.constant 0 : index
      %swap3A_45 = arith.constant 0 : index
      %swap3A_46 = vector.load %arg5[%swap3A, %swap3A_45] : memref<128x768xf32, #tpu.memory_space<vmem>>, vector<128x768xf32>
      tpu.vector_store %arg5[%swap3A, %swap3A_45], %add3A_44 {strides = array<i32>} : memref<128x768xf32, #tpu.memory_space<vmem>>, vector<128x768xf32>,
    } else {
    }
    %ne3A = arith.constant 0 : i32
    %ne3A_32 = arith.cmpi ne, %arg0, %ne3A : i32
    %convert_element_type3A_33 = arith.extui %ne3A_32 : i1 to i32
    %cond3A_34 = arith.constant 0 : i32
    %cond3A_35 = arith.cmpi ne, %convert_element_type3A_33, %cond3A_34 : i32
    scf.if %cond3A_35 {
      %get3A_41 = arith.constant 0 : index
      %get3A_42 = arith.constant 0 : index
      %get3A_43 = vector.load %arg5[%get3A_41, %get3A_42] : memref<128x768xf32, #tpu.memory_space<vmem>>, vector<128x768xf32>
      %add3A_44 = arith.addf %get3A_43, %dot_general3A_26 : vector<128x768xf32>
      %swap3A = arith.constant 0 : index
      %swap3A_45 = arith.constant 0 : index
      %swap3A_46 = vector.load %arg5[%swap3A, %swap3A_45] : memref<128x768xf32, #tpu.memory_space<vmem>>, vector<128x768xf32>
      tpu.vector_store %arg5[%swap3A, %swap3A_45], %add3A_44 {strides = array<i32>} : memref<128x768xf32, #tpu.memory_space<vmem>>, vector<128x768xf32>,
    } else {
    }
    %add3A = arith.constant 4 : i32
    %add3A_36 = arith.addi %arg0, %add3A : i32
    %lt3A = arith.constant 16 : i32
    %lt3A_37 = arith.cmpi slt, %add3A_36, %lt3A : i32
    %convert_element_type3A_38 = arith.extui %lt3A_37 : i1 to i32
    %cond3A_39 = arith.constant 0 : i32
    %cond3A_40 = arith.cmpi ne, %convert_element_type3A_38, %cond3A_39 : i32
    scf.if %cond3A_40 {
      %dma_start3A = tpu.memref_slice %arg7[%rem3A_2] : memref<4x!tpu.dma_semaphore, #tpu.memory_space<semaphore_mem>> -> memref<1x!tpu.dma_semaphore, #tpu.memory_space<semaphore_mem>>
      %dma_start3A_41 = tpu.memref_squeeze %dma_start3A : memref<1x!tpu.dma_semaphore, #tpu.memory_space<semaphore_mem>> -> memref<!tpu.dma_semaphore, #tpu.memory_space<semaphore_mem>>
      %dma_start3A_42 = arith.constant 0 : i32
      %dma_start3A_43 = arith.constant 0 : i32
      %dma_start3A_44 = tpu.memref_slice %arg6[%rem3A_2, %dma_start3A_42, %dma_start3A_43] : memref<4x768x768xf32, #tpu.memory_space<vmem>> -> memref<1x768x768xf32, #tpu.memory_space<vmem>>
      %dma_start3A_45 = tpu.memref_squeeze %dma_start3A_44 : memref<1x768x768xf32, #tpu.memory_space<vmem>> -> memref<768x768xf32, #tpu.memory_space<vmem>>
      %dma_start3A_46 = arith.constant 0 : i32
      %dma_start3A_47 = arith.constant 0 : i32
      %dma_start3A_48 = tpu.memref_slice %arg3[%add3A_36, %dma_start3A_46, %dma_start3A_47] : memref<16x768x768xf32, #tpu.memory_space<any>> -> memref<1x768x768xf32, #tpu.memory_space<any>>
      %dma_start3A_49 = tpu.memref_squeeze %dma_start3A_48 : memref<1x768x768xf32, #tpu.memory_space<any>> -> memref<768x768xf32, #tpu.memory_space<any>>
      tpu.enqueue_dma source(%dma_start3A_49 : memref<768x768xf32, #tpu.memory_space<any>>) target(%dma_start3A_45 : memref<768x768xf32, #tpu.memory_space<vmem>>) target_semaphore(%dma_start3A_41 : memref<!tpu.dma_semaphore, #tpu.memory_space<semaphore_mem>>)
    } else {
    }
    return
  }
  func.func @transform_0(%arg0: i32) -> (i32, i32) {
    %c0_i32 = arith.constant 0 : i32
    %c0_i32_0 = arith.constant 0 : i32
    %c0_i32_1 = arith.constant 0 : i32
    return %c0_i32, %c0_i32_0 : i32, i32
  }
  func.func @transform_1(%arg0: i32) -> (i32, i32) {
    %c0_i32 = arith.constant 0 : i32
    %c0_i32_0 = arith.constant 0 : i32
    %c0_i32_1 = arith.constant 0 : i32
    return %c0_i32, %c0_i32_0 : i32, i32
  }
  func.func @transform_3(%arg0: i32) -> (i32, i32) {
    %c0_i32 = arith.constant 0 : i32
    %c0_i32_0 = arith.constant 0 : i32
    %c0_i32_1 = arith.constant 0 : i32
    return %c0_i32, %c0_i32_0 : i32, i32
  }
  func.func @transform_4(%arg0: i32) -> (i32, i32) {
    %c0_i32 = arith.constant 0 : i32
    %c0_i32_0 = arith.constant 0 : i32
    %c0_i32_1 = arith.constant 0 : i32
    return %c0_i32, %c0_i32_0 : i32, i32
  }
}

</mosaic_0001>

<sc_bundles>
// kernel: kernel.4.cloned.1.call-start
scs
__scs_entry_jumppad:
0x0: {  	(pc) =	sbr.rel $0x88, $3  }
0x1: {  	(tag) =	ssettag $0x0;
	lr =	simm.s32 $0x1  }
0x2: {  	[smem:$0x3F9D] =	sst lr;
	_ =	strace $0xD0000000  }
0x3: {  	_ = 	snop  }
0x4: {  	_ = 	snop  }
0x5: {  	_ = 	snop  }
0x6: {  	_ = 	snop  }
0x7: {  	_ = 	snop  }
__scs_overlays_trampoline_lowered:
0x8: {  	[smem:$0x3FAC] =	sst s0  }
0x9: {  	[smem:$0x3FAD] =	sst s1  }
0xa: {  	[smem:$0x3FAE] =	sst s2  }
0xb: {  	[smem:$0x3FAF] =	sst s3  }
0xc: {  	[smem:$0x3FB0] =	sst s4  }
0xd: {  	[smem:$0x3FB1] =	sst s5  }
0xe: {  	[smem:$0x3FB2] =	sst s6  }
0xf: {  	[smem:$0x3FB3] =	sst s7  }
0x10: {  	[smem:$0x3FB4] =	sst s8  }
0x11: {  	[smem:$0x3FB5] =	sst s9;
	s0 =	simm.s32 @!p0 $0x0  }
0x12: {  	s1 =	sld [smem:$0x3F9B];
	s0 =	simm.s32 @p0 $0x1  }
0x13: {  	[smem:$0x3FB6] =	sst s0;
	s0 =	simm.s32 @!p1 $0x0  }
0x14: {  	s2 =	sld [smem:$0x3F9A];
	s0 =	simm.s32 @p1 $0x1  }
0x15: {  	[smem:$0x3FB7] =	sst s0;
	s0 =	simm.s32 @!p2 $0x0  }
0x16: {  	s3 =	sld [smem:$0x3FDB];
	s0 =	simm.s32 @p2 $0x1  }
0x17: {  	s4 =	simm.s32 $0x1BF5;
	[smem:$0x3FB9] =	sst s0  }
0x18: {  	s0 =	sld [smem:$0x3F9C];
	_ =	swait.ge [sflag:s4], $0x0  }
0x19: {  	s7 =	sld [smem:$0x3F9D]  }
0x1a: {  	s8 =	sadd.s32 $0xFFFFE003, lr  }
0x1b: {  	s9 =	sadd.s32 $0xFFFFFEF7, lr;
	s5 =	simm.s32 $0xFFFFFFFF;
	p2 =	slt.u32 s8, $0xFFFFF086  }
0x1c: {  	p1 =	slt.u32 s9, $0xF7A;
	s5 =	simm.s32 @!p2 $0x0  }
0x1d: {  	s5 =	simm.s32 @p1 $0x1;
	p0 =	seq.s32 s7, s2  }
0x1e: {  	s7 =	smul.u32 @!p0 $0xF7A, s2;
	p2 =	seq.s32 @!p0 s5, $0x0  }
0x1f: {  	s9 =	smul.u32 $0xF7A, s1;
	s8 =	simm.s32 @!p0 $0x1BF5;
	p2 =	por !p2, p0  }
0x20: {  	[sflag:s8] =	ssyncset.s32 @!p0 $0xFFFFF086;
	s6 =	sadd.s32 @!p0 s3, s7;
	s7 =	simm.s32 @!p0 $0x108  }
0x21: {  	s3 =	sadd.s32 s3, s9;
	s6 =	sadd.s32 @!p0 $0x88, s6;
	s7 =	simm.s32 @p2 $0x1082  }
0x22: {  	[simem:s7], [sflag:s8] =	dma.local @!p0 [hbm:s6], $0xF7A  }
0x23: {  	s9 =	sor.u32 $0xD0000000, s2;
	s6 =	simm.s32 $0x108;
	_ =	swait.ge @!p0 [sflag:s8], $0x0  }
0x24: {  	s3 =	sadd.s32 $0x88, s3;
	s6 =	simm.s32 @!p1 $0x1082;
	[sflag:s4] =	ssyncset.s32 $0xFFFFF086  }
0x25: {  	[simem:s6], [sflag:s4] =	dma.local [hbm:s3], $0xF7A  }
0x26: {  	[smem:$0x3F9D] =	sst s1;
	(tag) =	ssettag s2;
	_ =	strace s9  }
0x27: {  	s1 =	sld [smem:$0x3FAD]  }
0x28: {  	s2 =	sld [smem:$0x3FAE]  }
0x29: {  	s4 =	sld [smem:$0x3FB0]  }
0x2a: {  	p0 =	seq.s32 s5, $0x0;
	s5 =	sld [smem:$0x3FB1]  }
0x2b: {  	s6 =	sld [smem:$0x3FB2]  }
0x2c: {  	s7 =	sld [smem:$0x3FB3]  }
0x2d: {  	s3 =	simm.s32 $0x108;
	s8 =	sld [smem:$0x3FB4]  }
0x2e: {  	s3 =	simm.s32 @!p0 $0x1082;
	s9 =	sld [smem:$0x3FB5]  }
0x2f: {  	lr =	sadd.s32 s0, s3;
	s0 =	sld [smem:$0x3FAC]  }
0x30: {  	s3 =	sld [smem:$0x3FAF]  }
0x31: {  	[smem:$0x3FB8] =	sst s10  }
0x32: {  	s10 =	sld [smem:$0x3FB6];
	_ =	sdelay $0x3  }
0x33: {  	p0 =	seq.s32 s10, $0x1;
	s10 =	sld [smem:$0x3FB8];
	_ =	sdelay $0x3  }
0x34: {  	[smem:$0x3FB8] =	sst s10  }
0x35: {  	s10 =	sld [smem:$0x3FB7];
	_ =	sdelay $0x3  }
0x36: {  	p1 =	seq.s32 s10, $0x1;
	s10 =	sld [smem:$0x3FB8];
	_ =	sdelay $0x3  }
0x37: {  	[smem:$0x3FB8] =	sst s10  }
0x38: {  	s10 =	sld [smem:$0x3FB9]  }
0x39: {  	_ = 	snop;
	(pc) =	sbr.ind lr, $3  }
0x3a: {  	_ = 	snop  }
0x3b: {  	_ = 	snop  }
0x3c: {  	p2 =	seq.s32 s10, $0x1;
	s10 =	sld [smem:$0x3FB8]  }
0x3d: {  	_ =	shalt  }
0x3e: {  	_ =	shalt  }
0x3f: {  	_ =	shalt  }
0x40: {  	_ =	shalt  }
0x41: {  	_ =	shalt  }
0x42: {  	_ =	shalt  }
0x43: {  	_ =	shalt  }
0x44: {  	_ =	shalt  }
0x45: {  	_ =	shalt  }
0x46: {  	_ =	shalt  }
0x47: {  	_ =	shalt  }
0x48: {  	_ =	shalt  }
0x49: {  	_ =	shalt  }
0x4a: {  	_ =	shalt  }
0x4b: {  	_ =	shalt  }
0x4c: {  	_ =	shalt  }
0x4d: {  	_ =	shalt  }
0x4e: {  	_ =	shalt  }
0x4f: {  	_ =	shalt  }
0x50: {  	_ =	shalt  }
0x51: {  	_ =	shalt  }
0x52: {  	_ =	shalt  }
0x53: {  	_ =	shalt  }
0x54: {  	_ =	shalt  }
0x55: {  	_ =	shalt  }
0x56: {  	_ =	shalt  }
0x57: {  	_ =	shalt  }
0x58: {  	_ =	shalt  }
0x59: {  	_ =	shalt  }
0x5a: {  	_ =	shalt  }
0x5b: {  	_ =	shalt  }
0x5c: {  	_ =	shalt  }
0x5d: {  	_ =	shalt  }
0x5e: {  	_ =	shalt  }
0x5f: {  	_ =	shalt  }
0x60: {  	_ =	shalt  }
0x61: {  	_ =	shalt  }
0x62: {  	_ =	shalt  }
0x63: {  	_ =	shalt  }
0x64: {  	_ =	shalt  }
0x65: {  	_ =	shalt  }
0x66: {  	_ =	shalt  }
0x67: {  	_ =	shalt  }
0x68: {  	_ =	shalt  }
0x69: {  	_ =	shalt  }
0x6a: {  	_ =	shalt  }
0x6b: {  	_ =	shalt  }
0x6c: {  	_ =	shalt  }
0x6d: {  	_ =	shalt  }
0x6e: {  	_ =	shalt  }
0x6f: {  	_ =	shalt  }
0x70: {  	_ =	shalt  }
0x71: {  	_ =	shalt  }
0x72: {  	_ =	shalt  }
0x73: {  	_ =	shalt  }
0x74: {  	_ =	shalt  }
0x75: {  	_ =	shalt  }
0x76: {  	_ =	shalt  }
0x77: {  	_ =	shalt  }
0x78: {  	_ =	shalt  }
0x79: {  	_ =	shalt  }
0x7a: {  	_ =	shalt  }
0x7b: {  	_ =	shalt  }
0x7c: {  	_ =	shalt  }
0x7d: {  	_ =	shalt  }
0x7e: {  	_ =	shalt  }
0x7f: {  	_ =	shalt  }
0x80: {  	_ =	shalt  }
0x81: {  	_ =	shalt  }
0x82: {  	_ =	shalt  }
0x83: {  	_ =	shalt  }
0x84: {  	_ =	shalt  }
0x85: {  	_ =	shalt  }
0x86: {  	_ =	shalt  }
0x87: {  	_ =	shalt  }
.Lfunc_end0:
.L_simem_size_0:
called_computation_lowered:
.L_overlay_start_0:
0x88: {  	s2 =	sld [smem:$0x3FD9]  }
0x89: {  	s3 =	sld [smem:$0x3FFE];
	_ =	sdelay $0x1  }
0x8a: {  	s1 =	srdreg.scid  }
0x8b: {  	s0 =	sand.u32 $0x1, s1  }
0x8c: {  	s18 =	sshll.u32 s0, $0xA;
	s2 =	sadd.s32 s3, s2  }
0x8d: {  	s2 =	sadd.s32 s2, s18  }
0x8e: {  	[smem:$0x3FC4] =	sst s2  }
0x8f: {  	_ = 	snop  }
0x90: {  	s2 =	sld [smem:$0x3FC8]  }
0x91: {  	s19 =	sld [smem:$0x3FC6]  }
0x92: {  	s4 =	sld [smem:$0x3FD0];
	(tm) =	ssettm $0x1  }
0x93: {  	s5 =	sld [smem:$0x3FFB];
	_ =	sdelay $0x3  }
0x94: {  	_ =	strace s5  }
0x95: {  	s5 =	sld [smem:$0x3FFC];
	_ =	sdelay $0x3  }
0x96: {  	_ =	strace s5  }
0x97: {  	s5 =	sld [smem:$0x3FFD];
	_ =	sdelay $0x3  }
0x98: {  	_ =	strace s5  }
0x99: {  	_ =	strace $0x8FFFFFFF  }
0x9a: {  	s20 =	sld [smem:$0x3FDB];
	_ =	sdelay $0x1  }
0x9b: {  	s6 =	simm.s32 $_scs_section_size  }
0x9c: {  	s7 =	simm.s32 $_size__tile_overlayer_lowered;
	s8 =	simm.s32 $_tile_overlayer_lowered  }
0x9d: {  	s23 =	simm.s32 $0x1BFF;
	s22 =	sshll.u32 s8, $0x1;
	s5 =	sadd.s32 s6, s20  }
0x9e: {  	s9 =	simm.s32 $0x0;
	s21 =	sshll.u32 s7, $0x1;
	s7 =	sadd.s32 s22, s5  }
0x9f: {  	[timem:s9], [sflag:s23] =	dma.local [hbm:s7], s21  }
0xa0: {  	_ =	swait.ge [sflag:s23], s21  }
0xa1: {  	s6 =	ssub.s32 $0x0, s21;
	[sflag:s23] =	ssyncset.done $0x0  }
0xa2: {  	[sflag:s23] =	ssyncadd.s32 s6;
	_ =	sdelay $0x1  }
0xa3: {  	s24 =	simm.s32 $0x1B8B  }
0xa4: {  	_ =	swait.ge [sflag:s24], $0x1  }
0xa5: {  	[sflag:s24] =	ssyncset.done $0x0  }
0xa6: {  	s25 =	simm.s32 $0x1B8E;
	[sflag:s24] =	ssyncadd.s32 $0xFFFFFFFF  }
0xa7: {  	s26 =	simm.s32 $execute0_lowered;
	[smem:$0x3FD2] =	sst s25  }
0xa8: {  	s6 =	sshll.u32 s26, $0x1;
	_ =	strace $0x80000046;
	[dreg:$0x1] =	wrdreg $0xFFFFFFFF  }
0xa9: {  	s28 =	simm.s32 $_size_execute0_lowered;
	s5 =	sadd.s32 s5, s6;
	[dreg:$0x0] =	wrdreg $0x0  }
0xaa: {  	s6 =	sshll.u32 s28, $0x1;
	[dreg:$0x2] =	wrdreg s5  }
0xab: {  	[dreg:$0x3] =	wrdreg s6  }
0xac: {  	[dreg:$0x4] =	wrdreg $0xC0  }
0xad: {  	_ =	task [dreg:s9], $0x5FFFF  }
0xae: {  	[dreg:$0x1] =	wrdreg $0xFFFFFFFF  }
0xaf: {  	[dreg:$0x0] =	wrdreg $0x60  }
0xb0: {  	[dreg:$0x2] =	wrdreg s19  }
0xb1: {  	[dreg:$0x3] =	wrdreg s2  }
0xb2: {  	[dreg:$0x4] =	wrdreg s4  }
0xb3: {  	[dreg:$0x5] =	wrdreg $0x9  }
0xb4: {  	_ =	task.clear_ibuf [dreg:s9], $0x6FFFF;
	_ =	strace $0x90000046  }
0xb5: {  	s29 =	simm.s32 $0x9;
	_ =	strace $0x80000048  }
0xb6: {  	_ =	swait.ge [sflag:s29], $0x1  }
0xb7: {  	[sflag:s29] =	ssyncadd.s32 $0xFFFFFFFF  }
0xb8: {  	_ =	strace $0x90000048  }
0xb9: {  	_ =	sfence  }
0xba: {  	s30 =	sld [smem:$0x0];
	_ =	sdelay $0x2  }
0xbb: {  	s31 =	sshll.u32 s1, $0xD;
	s1 =	sshrl.u32 s1, $0x2  }
0xbc: {  	s3 =	sand.u32 $0x4000, s31;
	s1 =	sadd.s32 s1, s30  }
0xbd: {  	s0 =	sor.u32 s3, s0;
	s1 =	sshll.u32 s1, $0x11  }
0xbe: {  	s0 =	sor.u32 s1, s0  }
0xbf: {  	s0 =	sadd.s32 $0x8F2B, s0  }
0xc0: {  	[sflag:s0] =	ssyncadd.remote.s32 $0x1  }
0xc1: {  	_ =	sfence.sel $0xFFFF  }
0xc2: {  	[dreg:$0x0] =	wrdreg $0xFFFFFFFF;
	(pc) =	sbr.abs _section_cstart, $3  }
0xc3: {  	[dreg:$0x1] =	wrdreg $0xFFFFFFFF  }
0xc4: {  	_ =	task.clear_ibuf [dreg:s9], $0x2FFFF;
	_ =	strace $0x9FFFFFFF  }
0xc5: {  	(tm) =	ssettm $0x7FFFFFFF  }
tec
execute0_lowered:
.L_overlay_start_1:
0x0: {  	(tag) =	ssettag $0x1  }
0x1: {  	s1 =	stileid.u32  }
0x2: {  	p0 =	sgt.u32 s1, $0x7  }
.Ltmp0:
0x3: {  	s2 =	rddreg [dreg:$0x0];
	(pc) =	sbr.rel @p0 .LBB2_4-.Ltmp0, $4  }
0x4: {  	s4 =	rddreg [dreg:$0x1]  }
0x5: {  	s12 =	rddreg [dreg:$0x2];
	s3 =	simm.s32 $0x0  }
0x6: {  	[smem:$0x7FF] =	sst s3  }
0x7: {  	s0 =	rddreg [dreg:$0x3];
	_ =	strace $0x80000047  }
0x8: {  	s5 =	srdreg.scid  }
0x9: {  	s30 =	sshll.u32 s1, $0x1;
	s10 =	sand.u32 $0x1, s5  }
0xa: {  	s13 =	sor.u32 s10, s30  }
0xb: {  	s5 =	sadd.s32 s4, s13;
	s4 =	simm.s32 $0x2  }
0xc: {  	[tilespmem:s3], [sflag:$0x2] =	stream.linear.gather [hbm4b:s5+s3], $0x8, $0x38;
	[tilespmem:$0x1880] =	vst v63  }
0xd: {  	_ =	swait.ge [sflag:s4], $0x8  }
0xe: {  	[sflag:s4] =	ssyncset.done $0x0  }
0xf: {  	[sflag:s4] =	ssyncadd.s32 $0xFFFFFFF8  }
0x10: {  	v0 =	vld.msk [tilespmem:$0x0], $0xff;
	_ =	sdelay $0x4  }
0x11: {  	v1 =	vshrl.u32 v0, $0x3  }
0x12: {  	v1 =	vmul.u32 $0x30, v1  }
0x13: {  	v2 =	vlaneseq.u32;
	v3 =	vand.u32 $0x7, v0  }
0x14: {  	v0 =	vand.u32 $0x7, v2;
	v2 =	vshrl.u32 v2, $0x3;
	v3 =	vor.u32 v3, v1  }
0x15: {  	v1 =	vmul.u32 $0x8, v2;
	v2 =	vperm.xlane v3, v0;
	_ =	sdelay $0x1  }
0x16: {  	v2 =	vadd.s32 v1, v2;
	_ =	sdelay $0x2  }
0x17: {  	s14 =	ssub.s32 $0x2, s10  }
0x18: {  	vm0 =	vmmov $0xffff;
	s6 =	simm.s32 $0x80;
	s7 =	sadd.s32 $0x100, s2;
	s15 =	sshrl.u32 s14, $0x1  }
0x19: {  	[tilespmem:s6], [sflag:$0x1] =	stream.indirect_vreg.gather [hbm4b:s2+s3], $0x80, v2, vm0, $0xb8;
	[tilespmem:$0x1880] =	vst v63  }
0x1a: {  	s8 =	sadd.s32 $0x200, s2;
	s9 =	simm.s32 $0x880;
	s14 =	ssub.s32 s14, s15  }
0x1b: {  	[tilespmem:s9], [sflag:$0x1] =	stream.indirect_vreg.gather [hbm4b:s7+s3], $0x80, v2, vm0, $0xb8;
	[tilespmem:$0x1880] =	vst v63  }
0x1c: {  	s11 =	simm.s32 $0x1;
	s10 =	simm.s32 $0x1080;
	s31 =	smax.u32 s14, $0x1  }
0x1d: {  	[tilespmem:s10], [sflag:$0x1] =	stream.indirect_vreg.gather [hbm4b:s8+s3], $0x80, v2, vm0, $0xb8;
	[tilespmem:$0x1880] =	vst v63  }
0x1e: {  	s13 =	smul.u32 $0x300, s13;
	p0 =	sne.s32 s31, $0x1;
	_ =	swait.ge [sflag:s11], $0x1800  }
.Ltmp1:
0x1f: {  	[sflag:s11] =	ssyncset.done $0x0;
	(pc) =	sbr.rel @!p0 .LBB2_3-.Ltmp1, $4  }
0x20: {  	s12 =	sadd.s32 s12, s13;
	[sflag:s11] =	ssyncadd.s32 $0xFFFFE800  }
0x21: {  	[hbm4b:s12+s3] =	stream.linear.scatter [tilespmem:s6], [sflag:$0x2], $0x1800, $0x38;
	[tilespmem:$0x1880] =	vst v63  }
0x22: {  	_ =	swait.ge [sflag:s4], $0x1800  }
0x23: {  	s13 =	sadd.s32 $0xFFFFFFFF, s31;
	[sflag:s4] =	ssyncset.done $0x0  }
.LBB2_2:
0x24: {  	p0 =	sne.s32 s13, $0x1;
	s13 =	sadd.s32 $0xFFFFFFFF, s13;
	[sflag:s4] =	ssyncadd.s32 $0xFFFFE800  }
0x25: {  	[tilespmem:s3], [sflag:$0x2] =	stream.linear.gather [hbm4b:s5+s3], $0x8, $0x38;
	[tilespmem:$0x1880] =	vst v63  }
0x26: {  	_ =	swait.ge [sflag:s4], $0x8  }
0x27: {  	[sflag:s4] =	ssyncset.done $0x0  }
0x28: {  	[sflag:s4] =	ssyncadd.s32 $0xFFFFFFF8  }
0x29: {  	v2 =	vld.msk [tilespmem:$0x0], $0xff;
	_ =	sdelay $0x4  }
0x2a: {  	v3 =	vshrl.u32 v2, $0x3  }
0x2b: {  	v3 =	vmul.u32 $0x30, v3  }
0x2c: {  	v2 =	vand.u32 $0x7, v2  }
0x2d: {  	v2 =	vor.u32 v2, v3  }
0x2e: {  	v2 =	vperm.xlane v2, v0;
	_ =	sdelay $0x1  }
0x2f: {  	v2 =	vadd.s32 v1, v2;
	_ =	sdelay $0x4  }
0x30: {  	[tilespmem:s6], [sflag:$0x1] =	stream.indirect_vreg.gather [hbm4b:s2+s3], $0x80, v2, vm0, $0xb8;
	[tilespmem:$0x1880] =	vst v63  }
0x31: {  	_ = 	snop  }
0x32: {  	[tilespmem:s9], [sflag:$0x1] =	stream.indirect_vreg.gather [hbm4b:s7+s3], $0x80, v2, vm0, $0xb8;
	[tilespmem:$0x1880] =	vst v63  }
0x33: {  	_ = 	snop  }
0x34: {  	[tilespmem:s10], [sflag:$0x1] =	stream.indirect_vreg.gather [hbm4b:s8+s3], $0x80, v2, vm0, $0xb8;
	[tilespmem:$0x1880] =	vst v63  }
0x35: {  	_ =	swait.ge [sflag:s11], $0x1800  }
.Ltmp2:
0x36: {  	[sflag:s11] =	ssyncset.done $0x0;
	(pc) =	sbr.rel @p0 .LBB2_2-.Ltmp2, $4  }
0x37: {  	[sflag:s11] =	ssyncadd.s32 $0xFFFFE800  }
0x38: {  	[hbm4b:s12+s3] =	stream.linear.scatter [tilespmem:s6], [sflag:$0x2], $0x1800, $0x38;
	[tilespmem:$0x1880] =	vst v63  }
0x39: {  	_ =	swait.ge [sflag:s4], $0x1800  }
0x3a: {  	[sflag:s4] =	ssyncset.done $0x0  }
.LBB2_3:
0x3b: {  	[sflag:s4] =	ssyncadd.s32 $0xFFFFE800  }
.LBB2_4:
0x3c: {  	_ =	sfence.sel $0x180000  }
0x3d: {  	[bflag:$0x0] =	sbarrier.arrive $0xFFFF  }
0x3e: {  	p0 =	sne.s32 s1, $0x0;
	_ =	strace $0x90000047  }
0x3f: {  	s0 =	sadd.s32 @!p0 $0x100000, s0;
	[bflag:$0x2] =	sbarrier.arrive $0xFFFF  }
0x40: {  	[sflag:s0] =	ssyncadd.tile.s32 @!p0 $0x1;
	_ =	shalt  }
.Lfunc_end2:
_tile_overlayer_lowered:
.L_overlay_start_2:
0x41: {  	(tag) =	ssettag $0x2  }
0x42: {  	s0 =	rddreg [dreg:$0x0];
	s2 =	stileid.u32  }
0x43: {  	s1 =	rddreg [dreg:$0x1];
	p0 =	sne.s32 s2, $0x0  }
0x44: {  	s3 =	rddreg [dreg:$0x2];
	[bflag:$0x3] =	sbarrier.arrive $0xFFFF;
	s2 =	simm.s32 @!p0 $0x1C02  }
0x45: {  	[timem:s3], [sflag:s2] =	dma.local @!p0 [hbm:s0], s1  }
0x46: {  	s0 =	simm.s32 @!p0 $0x2  }
0x47: {  	_ =	swait.ge @!p0 [sflag:s0], s1  }
0x48: {  	s1 =	ssub.s32 @!p0 $0x0, s1;
	[sflag:s0] =	ssyncset.done @!p0 $0x0  }
0x49: {  	[sflag:s0] =	ssyncadd.s32 @!p0 s1  }
0x4a: {  	[bflag:$0x3] =	sbarrier.arrive $0xFFFF  }
0x4b: {  	_ =	shalt  }

</sc_bundles>
